<compile_context>
chip_gen: v7x
topology: tpu7x:2x2x1
jax: 0.10.2.dev20260603
libtpu: 0.0.44.dev20260713+nightly
codegen_flags: <defaults>
</compile_context>

<pallas_src>
import functools

import jax
import jax.numpy as jnp
from jax import lax
from jax.experimental import pallas as pl
from jax.experimental.pallas import tpu as pltpu
from jax.experimental.pallas import tpu_sc as plsc

D_MODEL = 64
MAXLEN = 200
NUM_CORES = 2
NUM_SUBCORES = 16
NUM_WORKERS = NUM_CORES * NUM_SUBCORES
HIST = 200
HIST_PAD = 256
BPB = 64
SPLITS = ((0, 128), (128, 72))


_TC_BB = 32


def _slice_body(x_ref, o_ref):
    o_ref[...] = x_ref[:, :, :D_MODEL]


@jax.jit
def _tc_slice(x):
    bsz = x.shape[0]
    return pl.pallas_call(
        _slice_body,
        grid=(bsz // _TC_BB,),
        in_specs=[pl.BlockSpec((_TC_BB, HIST, 128), lambda i: (i, 0, 0))],
        out_specs=pl.BlockSpec((_TC_BB, HIST, D_MODEL), lambda i: (i, 0, 0)),
        out_shape=jax.ShapeDtypeStruct((bsz, HIST, D_MODEL), jnp.float32),
    )(x)


@functools.partial(jax.jit, static_argnames=("bsz",))
def _sc_lookup(pos_flat, table2, *, bsz):
    per_w = bsz // NUM_WORKERS
    n_blocks = per_w // BPB

    mesh = plsc.VectorSubcoreMesh(
        core_axis_name="c", subcore_axis_name="s", num_cores=NUM_CORES
    )

    @functools.partial(
        pl.kernel,
        out_type=jax.ShapeDtypeStruct((bsz, HIST, 128), jnp.float32),
        mesh=mesh,
        scratch_types=[
            pltpu.VMEM((MAXLEN, 128), jnp.float32),
            pltpu.VMEM_SHARED((MAXLEN, 128), jnp.float32),
            pltpu.VMEM((BPB * HIST_PAD,), jnp.int32),
            pltpu.VMEM((2, 1, HIST, 128), jnp.float32),
            pltpu.SemaphoreType.DMA,
            pltpu.SemaphoreType.DMA,
        ],
        compiler_params=pltpu.CompilerParams(use_tc_tiling_on_sc=True),
    )
    def k(pos_hbm, table_hbm, out_hbm, table_v, table_sp, idx_v, rows_v,
          sem_g, sem_out):
        wid = lax.axis_index("s") * NUM_CORES + lax.axis_index("c")
        b_base = wid * per_w
        i_base = pl.multiple_of(b_base * HIST_PAD, 128)

        @pl.when(lax.axis_index("s") == 0)
        def _stage_table():
            pltpu.sync_copy(table_hbm, table_v)
            pltpu.sync_copy(table_v, table_sp)

        plsc.subcore_barrier()

        def fire_gathers(h, rloc):
            for off, ln in SPLITS:
                o = pl.multiple_of(rloc * HIST_PAD + off, 128)
                pltpu.async_copy(
                    table_sp.at[idx_v.at[pl.ds(o, ln)]],
                    rows_v.at[h].at[0].at[pl.ds(off, ln)],
                    sem_g,
                )

        def out_src(h):
            return rows_v.at[h]

        def blk_body(g, _):
            iw = pl.multiple_of(i_base + g * (BPB * HIST_PAD), 128)
            pltpu.sync_copy(pos_hbm.at[pl.ds(iw, BPB * HIST_PAD)], idx_v)
            fire_gathers(0, 0)

            def pair_body(p, _):
                for h in range(2):
                    rloc = 2 * p + h
                    b_abs = b_base + g * BPB + rloc
                    out_slice = out_hbm.at[pl.ds(b_abs, 1)]
                    c_g = g * BPB + rloc

                    pltpu.make_async_copy(
                        table_hbm, rows_v.at[h].at[0], sem_g
                    ).wait()
                    pltpu.async_copy(out_src(h), out_slice, sem_out)

                    @pl.when(c_g >= 1)
                    def _wait_out():
                        pltpu.make_async_copy(
                            out_src(1 - h), out_slice, sem_out
                        ).wait()

                    if h == 1:
                        @pl.when(rloc + 1 < BPB)
                        def _fire_next():
                            fire_gathers(0, rloc + 1)
                    else:
                        fire_gathers(1, rloc + 1)

                return _

            lax.fori_loop(0, BPB // 2, pair_body, 0)
            return _

        lax.fori_loop(0, n_blocks, blk_body, 0)

        last = b_base + per_w - 1
        pltpu.make_async_copy(
            out_src((per_w - 1) % 2), out_hbm.at[pl.ds(last, 1)], sem_out
        ).wait()

    return k(pos_flat, table2)


def kernel(positions, encoding_weight):
    bsz, hist = positions.shape
    maxlen, d = encoding_weight.shape
    assert d == D_MODEL and hist == HIST and maxlen == MAXLEN
    assert bsz % (NUM_WORKERS * BPB) == 0
    pos_pad = jnp.pad(positions.astype(jnp.int32), ((0, 0), (0, HIST_PAD - hist)))
    pos_flat = pos_pad.reshape(-1)
    table2 = jnp.concatenate([encoding_weight, encoding_weight], axis=1)
    return _tc_slice(_sc_lookup(pos_flat, table2, bsz=bsz))

# --- scband reference (transcript-rebuilt; emitter-appended) ---
"""Pipeline reference for scband-positional-encoding-23364622090869 (READ-ONLY COPY).

The authoritative reference and input builder live on the scoring server;
editing this copy changes nothing except your own understanding.
"""

import jax, jax.numpy as jnp
import numpy as np

D_MODEL = 64
MAX_LEN = 200
BATCH = 16384
HIST = 200

def setup_inputs(seed: int = 0) -> dict:
    key = jax.random.key(seed)
    k1, k2 = jax.random.split(key)
    positions = jax.random.randint(k1, (BATCH, HIST), 0, MAX_LEN, dtype=jnp.int64 if jax.config.jax_enable_x64 else jnp.int32)
    encoding_weight = jax.random.normal(k2, (MAX_LEN, D_MODEL), dtype=jnp.float32)
    return {"positions": positions, "encoding_weight": encoding_weight}

def reference(positions, encoding_weight):
    # nn.Embedding lookup: encoding(positions)
    return jnp.take(encoding_weight, positions, axis=0)

if __name__ == "__main__":
    import jax
    _d = setup_inputs()
    print(jax.jit(kernel)(*tuple(_d.values())))

</pallas_src>

<mosaic_0001>
#map = affine_map<(d0, d1) -> (0)>
#map1 = affine_map<(d0, d1) -> (0, 0)>
#map2 = affine_map<(d0, d1) -> (0, 0, 0)>
module attributes {stable_mosaic.version = 14 : i64} {
  func.func @k(%arg0: i32, %arg1: i32, %arg2: memref<4194304xi32, #tpu.memory_space<hbm>>, %arg3: memref<200x128xf32, #tpu.memory_space<hbm>>, %arg4: memref<16384x200x128xf32, #tpu.memory_space<hbm>>, %arg5: memref<200x128xf32, #tpu.memory_space<vmem>>, %arg6: memref<200x128xf32, #tpu.memory_space<vmem_shared>>, %arg7: memref<16384xi32, #tpu.memory_space<vmem>>, %arg8: memref<2x1x200x128xf32, #tpu.memory_space<vmem>>, %arg9: memref<!tpu.dma_semaphore, #tpu.memory_space<semaphore_mem>>, %arg10: memref<!tpu.dma_semaphore, #tpu.memory_space<semaphore_mem>>) attributes {dimension_semantics = [#tpu.dimension_semantics<core_parallel>, #tpu.dimension_semantics<subcore_parallel>], iteration_bounds = array<i64: 2, 16>, scalar_prefetch = 0 : i64, scratch_operands = 6 : i64, tpu.core_type = #tpu.core_type<sc_vector_subcore>, window_params = [{transform_indices = #map}, {transform_indices = #map1}, {transform_indices = #map2}]} {
    %mul3A = arith.constant 2 : i32
    %mul3A_0 = arith.muli %arg1, %mul3A : i32
    %add3A = arith.addi %mul3A_0, %arg0 : i32
    %mul3A_1 = arith.constant 512 : i32
    %mul3A_2 = arith.muli %add3A, %mul3A_1 : i32
    %mul3A_3 = arith.constant 256 : i32
    %mul3A_4 = arith.muli %mul3A_2, %mul3A_3 : i32
    %multiple_of3A = tpu.assume_multiple %mul3A_4, 128 : i32
    %eq3A = arith.constant 0 : i32
    %eq3A_5 = arith.cmpi eq, %arg1, %eq3A : i32
    %convert_element_type3A = arith.extui %eq3A_5 : i1 to i32
    %cond3A = arith.constant 0 : i32
    %cond3A_6 = arith.cmpi ne, %convert_element_type3A, %cond3A : i32
    scf.if %cond3A_6 {
      "tpu.region"() ({
        %run_scoped3A = tpu.sem_alloc : memref<!tpu.dma_semaphore, #tpu.memory_space<semaphore_mem>>
        tpu.enqueue_dma source(%arg3 : memref<200x128xf32, #tpu.memory_space<hbm>>) target(%arg5 : memref<200x128xf32, #tpu.memory_space<vmem>>) target_semaphore(%run_scoped3A : memref<!tpu.dma_semaphore, #tpu.memory_space<semaphore_mem>>)
        tpu.wait_dma2 semaphore(%run_scoped3A : memref<!tpu.dma_semaphore, #tpu.memory_space<semaphore_mem>>) src(%arg3 : memref<200x128xf32, #tpu.memory_space<hbm>>) dst(%arg5 : memref<200x128xf32, #tpu.memory_space<vmem>>)
        tpu.yield
      }) : () -> ()
      "tpu.region"() ({
        %run_scoped3A = tpu.sem_alloc : memref<!tpu.dma_semaphore, #tpu.memory_space<semaphore_mem>>
        tpu.enqueue_dma source(%arg5 : memref<200x128xf32, #tpu.memory_space<vmem>>) target(%arg6 : memref<200x128xf32, #tpu.memory_space<vmem_shared>>) target_semaphore(%run_scoped3A : memref<!tpu.dma_semaphore, #tpu.memory_space<semaphore_mem>>)
        tpu.wait_dma2 semaphore(%run_scoped3A : memref<!tpu.dma_semaphore, #tpu.memory_space<semaphore_mem>>) src(%arg5 : memref<200x128xf32, #tpu.memory_space<vmem>>) dst(%arg6 : memref<200x128xf32, #tpu.memory_space<vmem_shared>>)
        tpu.yield
      }) : () -> ()
    } else {
    }
    %barrier3A = arith.constant 0 : index
    tpu.barrier barrier_id(%barrier3A)
    %scan3A = arith.constant 0 : i32
    %scan3A_7 = arith.constant 0 : i32
    %scan3A_8 = arith.constant 8 : i32
    %scan3A_9 = arith.addi %scan3A_7, %scan3A_8 : i32
    %scan3A_10 = arith.constant 1 : i32
    scf.for %scan3A_31 = %scan3A_7 to %scan3A_9 step %scan3A_10  : i32 {
      %mul3A_32 = arith.constant 16384 : i32
      %mul3A_33 = arith.muli %scan3A_31, %mul3A_32 : i32
      %add3A_34 = arith.addi %multiple_of3A, %mul3A_33 : i32
      %multiple_of3A_35 = tpu.assume_multiple %add3A_34, 128 : i32
      "tpu.region"() ({
        %run_scoped3A = tpu.sem_alloc : memref<!tpu.dma_semaphore, #tpu.memory_space<semaphore_mem>>
        %dma_start3A_81 = tpu.memref_slice %arg2[%multiple_of3A_35] : memref<4194304xi32, #tpu.memory_space<hbm>> -> memref<16384xi32, #tpu.memory_space<hbm>>
        %dma_start3A_82 = tpu.memref_slice %arg2[%multiple_of3A_35] : memref<4194304xi32, #tpu.memory_space<hbm>> -> memref<16384xi32, #tpu.memory_space<hbm>>
        tpu.enqueue_dma source(%dma_start3A_82 : memref<16384xi32, #tpu.memory_space<hbm>>) target(%arg7 : memref<16384xi32, #tpu.memory_space<vmem>>) target_semaphore(%run_scoped3A : memref<!tpu.dma_semaphore, #tpu.memory_space<semaphore_mem>>)
        %dma_wait3A_83 = tpu.memref_slice %arg2[%multiple_of3A_35] : memref<4194304xi32, #tpu.memory_space<hbm>> -> memref<16384xi32, #tpu.memory_space<hbm>>
        %dma_wait3A_84 = tpu.memref_slice %arg2[%multiple_of3A_35] : memref<4194304xi32, #tpu.memory_space<hbm>> -> memref<16384xi32, #tpu.memory_space<hbm>>
        tpu.wait_dma2 semaphore(%run_scoped3A : memref<!tpu.dma_semaphore, #tpu.memory_space<semaphore_mem>>) src(%dma_wait3A_84 : memref<16384xi32, #tpu.memory_space<hbm>>) dst(%arg7 : memref<16384xi32, #tpu.memory_space<vmem>>)
        tpu.yield
      }) : () -> ()
      %multiple_of3A_36 = arith.constant 0 : i32
      %multiple_of3A_37 = tpu.assume_multiple %multiple_of3A_36, 128 : i32
      %dma_start3A = arith.constant 0 : i32
      %dma_start3A_38 = arith.constant 0 : i32
      %dma_start3A_39 = arith.constant 0 : i32
      %dma_start3A_40 = arith.constant 0 : i32
      %dma_start3A_41 = arith.constant 0 : i32
      %dma_start3A_42 = tpu.memref_slice %arg8[%dma_start3A, %dma_start3A_39, %dma_start3A_40, %dma_start3A_41] : memref<2x1x200x128xf32, #tpu.memory_space<vmem>> -> memref<1x1x200x128xf32, #tpu.memory_space<vmem>>
      %dma_start3A_43 = tpu.memref_squeeze %dma_start3A_42 : memref<1x1x200x128xf32, #tpu.memory_space<vmem>> -> memref<1x200x128xf32, #tpu.memory_space<vmem>>
      %dma_start3A_44 = arith.constant 0 : i32
      %dma_start3A_45 = arith.constant 0 : i32
      %dma_start3A_46 = tpu.memref_slice %dma_start3A_43[%dma_start3A_38, %dma_start3A_44, %dma_start3A_45] : memref<1x200x128xf32, #tpu.memory_space<vmem>> -> memref<1x200x128xf32, #tpu.memory_space<vmem>>
      %dma_start3A_47 = tpu.memref_squeeze %dma_start3A_46 : memref<1x200x128xf32, #tpu.memory_space<vmem>> -> memref<200x128xf32, #tpu.memory_space<vmem>>
      %dma_start3A_48 = arith.constant 0 : i32
      %dma_start3A_49 = arith.constant 0 : i32
      %dma_start3A_50 = tpu.memref_slice %dma_start3A_47[%dma_start3A_48, %dma_start3A_49] : memref<200x128xf32, #tpu.memory_space<vmem>> -> memref<128x128xf32, #tpu.memory_space<vmem>>
      %dma_start3A_51 = tpu.memref_slice %arg7[%multiple_of3A_37] : memref<16384xi32, #tpu.memory_space<vmem>> -> memref<128xi32, #tpu.memory_space<vmem>>
      %dma_start3A_52 = arith.constant 0 : i32
      %dma_start3A_53 = arith.constant 0 : i32
      %dma_start3A_54 = tpu.memref_slice %arg6[%dma_start3A_52, %dma_start3A_53] : memref<200x128xf32, #tpu.memory_space<vmem_shared>> -> memref<200x128xf32, #tpu.memory_space<vmem_shared>>
      tpu.enqueue_indirect_dma source(%dma_start3A_54 : memref<200x128xf32, #tpu.memory_space<vmem_shared>>) target(%dma_start3A_50 : memref<128x128xf32, #tpu.memory_space<vmem>>) offsets(%dma_start3A_51 : memref<128xi32, #tpu.memory_space<vmem>>) semaphore(%arg9 : memref<!tpu.dma_semaphore, #tpu.memory_space<semaphore_mem>>)
      %multiple_of3A_55 = arith.constant 128 : i32
      %multiple_of3A_56 = tpu.assume_multiple %multiple_of3A_55, 128 : i32
      %dma_start3A_57 = arith.constant 0 : i32
      %dma_start3A_58 = arith.constant 0 : i32
      %dma_start3A_59 = arith.constant 0 : i32
      %dma_start3A_60 = arith.constant 0 : i32
      %dma_start3A_61 = arith.constant 0 : i32
      %dma_start3A_62 = tpu.memref_slice %arg8[%dma_start3A_57, %dma_start3A_59, %dma_start3A_60, %dma_start3A_61] : memref<2x1x200x128xf32, #tpu.memory_space<vmem>> -> memref<1x1x200x128xf32, #tpu.memory_space<vmem>>
      %dma_start3A_63 = tpu.memref_squeeze %dma_start3A_62 : memref<1x1x200x128xf32, #tpu.memory_space<vmem>> -> memref<1x200x128xf32, #tpu.memory_space<vmem>>
      %dma_start3A_64 = arith.constant 0 : i32
      %dma_start3A_65 = arith.constant 0 : i32
      %dma_start3A_66 = tpu.memref_slice %dma_start3A_63[%dma_start3A_58, %dma_start3A_64, %dma_start3A_65] : memref<1x200x128xf32, #tpu.memory_space<vmem>> -> memref<1x200x128xf32, #tpu.memory_space<vmem>>
      %dma_start3A_67 = tpu.memref_squeeze %dma_start3A_66 : memref<1x200x128xf32, #tpu.memory_space<vmem>> -> memref<200x128xf32, #tpu.memory_space<vmem>>
      %dma_start3A_68 = arith.constant 128 : i32
      %dma_start3A_69 = arith.constant 0 : i32
      %dma_start3A_70 = tpu.memref_slice %dma_start3A_67[%dma_start3A_68, %dma_start3A_69] : memref<200x128xf32, #tpu.memory_space<vmem>> -> memref<72x128xf32, #tpu.memory_space<vmem>>
      %dma_start3A_71 = tpu.memref_slice %arg7[%multiple_of3A_56] : memref<16384xi32, #tpu.memory_space<vmem>> -> memref<72xi32, #tpu.memory_space<vmem>>
      %dma_start3A_72 = arith.constant 0 : i32
      %dma_start3A_73 = arith.constant 0 : i32
      %dma_start3A_74 = tpu.memref_slice %arg6[%dma_start3A_72, %dma_start3A_73] : memref<200x128xf32, #tpu.memory_space<vmem_shared>> -> memref<200x128xf32, #tpu.memory_space<vmem_shared>>
      tpu.enqueue_indirect_dma source(%dma_start3A_74 : memref<200x128xf32, #tpu.memory_space<vmem_shared>>) target(%dma_start3A_70 : memref<72x128xf32, #tpu.memory_space<vmem>>) offsets(%dma_start3A_71 : memref<72xi32, #tpu.memory_space<vmem>>) semaphore(%arg9 : memref<!tpu.dma_semaphore, #tpu.memory_space<semaphore_mem>>)
      %scan3A_75 = arith.constant 0 : i32
      %scan3A_76 = arith.constant 0 : i32
      %scan3A_77 = arith.constant 32 : i32
      %scan3A_78 = arith.addi %scan3A_76, %scan3A_77 : i32
      %scan3A_79 = arith.constant 1 : i32
      scf.for %scan3A_81 = %scan3A_76 to %scan3A_78 step %scan3A_79  : i32 {
        %mul3A_82 = arith.constant 2 : i32
        %mul3A_83 = arith.muli %mul3A_82, %scan3A_81 : i32
        %add3A_84 = arith.constant 0 : i32
        %add3A_85 = arith.addi %mul3A_83, %add3A_84 : i32
        %mul3A_86 = arith.constant 64 : i32
        %mul3A_87 = arith.muli %scan3A_31, %mul3A_86 : i32
        %add3A_88 = arith.addi %mul3A_2, %mul3A_87 : i32
        %add3A_89 = arith.addi %add3A_88, %add3A_85 : i32
        %mul3A_90 = arith.constant 64 : i32
        %mul3A_91 = arith.muli %scan3A_31, %mul3A_90 : i32
        %add3A_92 = arith.addi %mul3A_91, %add3A_85 : i32
        %dma_wait3A_93 = arith.constant 0 : i32
        %dma_wait3A_94 = arith.constant 0 : i32
        %dma_wait3A_95 = arith.constant 0 : i32
        %dma_wait3A_96 = arith.constant 0 : i32
        %dma_wait3A_97 = arith.constant 0 : i32
        %dma_wait3A_98 = tpu.memref_slice %arg8[%dma_wait3A_93, %dma_wait3A_95, %dma_wait3A_96, %dma_wait3A_97] : memref<2x1x200x128xf32, #tpu.memory_space<vmem>> -> memref<1x1x200x128xf32, #tpu.memory_space<vmem>>
        %dma_wait3A_99 = tpu.memref_squeeze %dma_wait3A_98 : memref<1x1x200x128xf32, #tpu.memory_space<vmem>> -> memref<1x200x128xf32, #tpu.memory_space<vmem>>
        %dma_wait3A_100 = arith.constant 0 : i32
        %dma_wait3A_101 = arith.constant 0 : i32
        %dma_wait3A_102 = tpu.memref_slice %dma_wait3A_99[%dma_wait3A_94, %dma_wait3A_100, %dma_wait3A_101] : memref<1x200x128xf32, #tpu.memory_space<vmem>> -> memref<1x200x128xf32, #tpu.memory_space<vmem>>
        %dma_wait3A_103 = tpu.memref_squeeze %dma_wait3A_102 : memref<1x200x128xf32, #tpu.memory_space<vmem>> -> memref<200x128xf32, #tpu.memory_space<vmem>>
        %dma_wait3A_104 = arith.constant 0 : i32
        %dma_wait3A_105 = arith.constant 0 : i32
        %dma_wait3A_106 = arith.constant 0 : i32
        %dma_wait3A_107 = tpu.memref_slice %arg8[%dma_wait3A_93, %dma_wait3A_104, %dma_wait3A_105, %dma_wait3A_106] : memref<2x1x200x128xf32, #tpu.memory_space<vmem>> -> memref<1x1x200x128xf32, #tpu.memory_space<vmem>>
        %dma_wait3A_108 = tpu.memref_squeeze %dma_wait3A_107 : memref<1x1x200x128xf32, #tpu.memory_space<vmem>> -> memref<1x200x128xf32, #tpu.memory_space<vmem>>
        %dma_wait3A_109 = arith.constant 0 : i32
        %dma_wait3A_110 = arith.constant 0 : i32
        %dma_wait3A_111 = tpu.memref_slice %dma_wait3A_108[%dma_wait3A_94, %dma_wait3A_109, %dma_wait3A_110] : memref<1x200x128xf32, #tpu.memory_space<vmem>> -> memref<1x200x128xf32, #tpu.memory_space<vmem>>
        %dma_wait3A_112 = tpu.memref_squeeze %dma_wait3A_111 : memref<1x200x128xf32, #tpu.memory_space<vmem>> -> memref<200x128xf32, #tpu.memory_space<vmem>>
        tpu.wait_dma2 semaphore(%arg9 : memref<!tpu.dma_semaphore, #tpu.memory_space<semaphore_mem>>) src(%arg3 : memref<200x128xf32, #tpu.memory_space<hbm>>) dst(%dma_wait3A_112 : memref<200x128xf32, #tpu.memory_space<vmem>>)
        %dma_start3A_113 = arith.constant 0 : i32
        %dma_start3A_114 = arith.constant 0 : i32
        %dma_start3A_115 = arith.constant 0 : i32
        %dma_start3A_116 = arith.constant 0 : i32
        %dma_start3A_117 = tpu.memref_slice %arg8[%dma_start3A_113, %dma_start3A_114, %dma_start3A_115, %dma_start3A_116] : memref<2x1x200x128xf32, #tpu.memory_space<vmem>> -> memref<1x1x200x128xf32, #tpu.memory_space<vmem>>
        %dma_start3A_118 = tpu.memref_squeeze %dma_start3A_117 : memref<1x1x200x128xf32, #tpu.memory_space<vmem>> -> memref<1x200x128xf32, #tpu.memory_space<vmem>>
        %dma_start3A_119 = arith.constant 0 : i32
        %dma_start3A_120 = arith.constant 0 : i32
        %dma_start3A_121 = tpu.memref_slice %arg4[%add3A_89, %dma_start3A_119, %dma_start3A_120] : memref<16384x200x128xf32, #tpu.memory_space<hbm>> -> memref<1x200x128xf32, #tpu.memory_space<hbm>>
        %dma_start3A_122 = arith.constant 0 : i32
        %dma_start3A_123 = arith.constant 0 : i32
        %dma_start3A_124 = tpu.memref_slice %arg4[%add3A_89, %dma_start3A_122, %dma_start3A_123] : memref<16384x200x128xf32, #tpu.memory_space<hbm>> -> memref<1x200x128xf32, #tpu.memory_space<hbm>>
        %dma_start3A_125 = arith.constant 0 : i32
        %dma_start3A_126 = arith.constant 0 : i32
        %dma_start3A_127 = arith.constant 0 : i32
        %dma_start3A_128 = tpu.memref_slice %arg8[%dma_start3A_113, %dma_start3A_125, %dma_start3A_126, %dma_start3A_127] : memref<2x1x200x128xf32, #tpu.memory_space<vmem>> -> memref<1x1x200x128xf32, #tpu.memory_space<vmem>>
        %dma_start3A_129 = tpu.memref_squeeze %dma_start3A_128 : memref<1x1x200x128xf32, #tpu.memory_space<vmem>> -> memref<1x200x128xf32, #tpu.memory_space<vmem>>
        tpu.enqueue_dma source(%dma_start3A_129 : memref<1x200x128xf32, #tpu.memory_space<vmem>>) target(%dma_start3A_124 : memref<1x200x128xf32, #tpu.memory_space<hbm>>) target_semaphore(%arg10 : memref<!tpu.dma_semaphore, #tpu.memory_space<semaphore_mem>>)
        %ge3A = arith.constant 1 : i32
        %ge3A_130 = arith.cmpi sge, %add3A_92, %ge3A : i32
        %convert_element_type3A_131 = arith.extui %ge3A_130 : i1 to i32
        %cond3A_132 = arith.constant 0 : i32
        %cond3A_133 = arith.cmpi ne, %convert_element_type3A_131, %cond3A_132 : i32
        scf.if %cond3A_133 {
          %dma_wait3A_241 = arith.constant 1 : i32
          %dma_wait3A_242 = arith.constant 0 : i32
          %dma_wait3A_243 = arith.constant 0 : i32
          %dma_wait3A_244 = arith.constant 0 : i32
          %dma_wait3A_245 = tpu.memref_slice %arg8[%dma_wait3A_241, %dma_wait3A_242, %dma_wait3A_243, %dma_wait3A_244] : memref<2x1x200x128xf32, #tpu.memory_space<vmem>> -> memref<1x1x200x128xf32, #tpu.memory_space<vmem>>
          %dma_wait3A_246 = tpu.memref_squeeze %dma_wait3A_245 : memref<1x1x200x128xf32, #tpu.memory_space<vmem>> -> memref<1x200x128xf32, #tpu.memory_space<vmem>>
          %dma_wait3A_247 = arith.constant 0 : i32
          %dma_wait3A_248 = arith.constant 0 : i32
          %dma_wait3A_249 = tpu.memref_slice %arg4[%add3A_89, %dma_wait3A_247, %dma_wait3A_248] : memref<16384x200x128xf32, #tpu.memory_space<hbm>> -> memref<1x200x128xf32, #tpu.memory_space<hbm>>
          %dma_wait3A_250 = arith.constant 0 : i32
          %dma_wait3A_251 = arith.constant 0 : i32
          %dma_wait3A_252 = tpu.memref_slice %arg4[%add3A_89, %dma_wait3A_250, %dma_wait3A_251] : memref<16384x200x128xf32, #tpu.memory_space<hbm>> -> memref<1x200x128xf32, #tpu.memory_space<hbm>>
          %dma_wait3A_253 = arith.constant 0 : i32
          %dma_wait3A_254 = arith.constant 0 : i32
          %dma_wait3A_255 = arith.constant 0 : i32
          %dma_wait3A_256 = tpu.memref_slice %arg8[%dma_wait3A_241, %dma_wait3A_253, %dma_wait3A_254, %dma_wait3A_255] : memref<2x1x200x128xf32, #tpu.memory_space<vmem>> -> memref<1x1x200x128xf32, #tpu.memory_space<vmem>>
          %dma_wait3A_257 = tpu.memref_squeeze %dma_wait3A_256 : memref<1x1x200x128xf32, #tpu.memory_space<vmem>> -> memref<1x200x128xf32, #tpu.memory_space<vmem>>
          tpu.wait_dma2 semaphore(%arg10 : memref<!tpu.dma_semaphore, #tpu.memory_space<semaphore_mem>>) src(%dma_wait3A_257 : memref<1x200x128xf32, #tpu.memory_space<vmem>>) dst(%dma_wait3A_252 : memref<1x200x128xf32, #tpu.memory_space<hbm>>)
        } else {
        }
        %add3A_134 = arith.constant 1 : i32
        %add3A_135 = arith.addi %add3A_85, %add3A_134 : i32
        %mul3A_136 = arith.constant 256 : i32
        %mul3A_137 = arith.muli %add3A_135, %mul3A_136 : i32
        %add3A_138 = arith.constant 0 : i32
        %add3A_139 = arith.addi %mul3A_137, %add3A_138 : i32
        %multiple_of3A_140 = tpu.assume_multiple %add3A_139, 128 : i32
        %dma_start3A_141 = arith.constant 1 : i32
        %dma_start3A_142 = arith.constant 0 : i32
        %dma_start3A_143 = arith.constant 0 : i32
        %dma_start3A_144 = arith.constant 0 : i32
        %dma_start3A_145 = arith.constant 0 : i32
        %dma_start3A_146 = tpu.memref_slice %arg8[%dma_start3A_141, %dma_start3A_143, %dma_start3A_144, %dma_start3A_145] : memref<2x1x200x128xf32, #tpu.memory_space<vmem>> -> memref<1x1x200x128xf32, #tpu.memory_space<vmem>>
        %dma_start3A_147 = tpu.memref_squeeze %dma_start3A_146 : memref<1x1x200x128xf32, #tpu.memory_space<vmem>> -> memref<1x200x128xf32, #tpu.memory_space<vmem>>
        %dma_start3A_148 = arith.constant 0 : i32
        %dma_start3A_149 = arith.constant 0 : i32
        %dma_start3A_150 = tpu.memref_slice %dma_start3A_147[%dma_start3A_142, %dma_start3A_148, %dma_start3A_149] : memref<1x200x128xf32, #tpu.memory_space<vmem>> -> memref<1x200x128xf32, #tpu.memory_space<vmem>>
        %dma_start3A_151 = tpu.memref_squeeze %dma_start3A_150 : memref<1x200x128xf32, #tpu.memory_space<vmem>> -> memref<200x128xf32, #tpu.memory_space<vmem>>
        %dma_start3A_152 = arith.constant 0 : i32
        %dma_start3A_153 = arith.constant 0 : i32
        %dma_start3A_154 = tpu.memref_slice %dma_start3A_151[%dma_start3A_152, %dma_start3A_153] : memref<200x128xf32, #tpu.memory_space<vmem>> -> memref<128x128xf32, #tpu.memory_space<vmem>>
        %dma_start3A_155 = tpu.memref_slice %arg7[%multiple_of3A_140] : memref<16384xi32, #tpu.memory_space<vmem>> -> memref<128xi32, #tpu.memory_space<vmem>>
        %dma_start3A_156 = arith.constant 0 : i32
        %dma_start3A_157 = arith.constant 0 : i32
        %dma_start3A_158 = tpu.memref_slice %arg6[%dma_start3A_156, %dma_start3A_157] : memref<200x128xf32, #tpu.memory_space<vmem_shared>> -> memref<200x128xf32, #tpu.memory_space<vmem_shared>>
        tpu.enqueue_indirect_dma source(%dma_start3A_158 : memref<200x128xf32, #tpu.memory_space<vmem_shared>>) target(%dma_start3A_154 : memref<128x128xf32, #tpu.memory_space<vmem>>) offsets(%dma_start3A_155 : memref<128xi32, #tpu.memory_space<vmem>>) semaphore(%arg9 : memref<!tpu.dma_semaphore, #tpu.memory_space<semaphore_mem>>)
        %mul3A_159 = arith.constant 256 : i32
        %mul3A_160 = arith.muli %add3A_135, %mul3A_159 : i32
        %add3A_161 = arith.constant 128 : i32
        %add3A_162 = arith.addi %mul3A_160, %add3A_161 : i32
        %multiple_of3A_163 = tpu.assume_multiple %add3A_162, 128 : i32
        %dma_start3A_164 = arith.constant 1 : i32
        %dma_start3A_165 = arith.constant 0 : i32
        %dma_start3A_166 = arith.constant 0 : i32
        %dma_start3A_167 = arith.constant 0 : i32
        %dma_start3A_168 = arith.constant 0 : i32
        %dma_start3A_169 = tpu.memref_slice %arg8[%dma_start3A_164, %dma_start3A_166, %dma_start3A_167, %dma_start3A_168] : memref<2x1x200x128xf32, #tpu.memory_space<vmem>> -> memref<1x1x200x128xf32, #tpu.memory_space<vmem>>
        %dma_start3A_170 = tpu.memref_squeeze %dma_start3A_169 : memref<1x1x200x128xf32, #tpu.memory_space<vmem>> -> memref<1x200x128xf32, #tpu.memory_space<vmem>>
        %dma_start3A_171 = arith.constant 0 : i32
        %dma_start3A_172 = arith.constant 0 : i32
        %dma_start3A_173 = tpu.memref_slice %dma_start3A_170[%dma_start3A_165, %dma_start3A_171, %dma_start3A_172] : memref<1x200x128xf32, #tpu.memory_space<vmem>> -> memref<1x200x128xf32, #tpu.memory_space<vmem>>
        %dma_start3A_174 = tpu.memref_squeeze %dma_start3A_173 : memref<1x200x128xf32, #tpu.memory_space<vmem>> -> memref<200x128xf32, #tpu.memory_space<vmem>>
        %dma_start3A_175 = arith.constant 128 : i32
        %dma_start3A_176 = arith.constant 0 : i32
        %dma_start3A_177 = tpu.memref_slice %dma_start3A_174[%dma_start3A_175, %dma_start3A_176] : memref<200x128xf32, #tpu.memory_space<vmem>> -> memref<72x128xf32, #tpu.memory_space<vmem>>
        %dma_start3A_178 = tpu.memref_slice %arg7[%multiple_of3A_163] : memref<16384xi32, #tpu.memory_space<vmem>> -> memref<72xi32, #tpu.memory_space<vmem>>
        %dma_start3A_179 = arith.constant 0 : i32
        %dma_start3A_180 = arith.constant 0 : i32
        %dma_start3A_181 = tpu.memref_slice %arg6[%dma_start3A_179, %dma_start3A_180] : memref<200x128xf32, #tpu.memory_space<vmem_shared>> -> memref<200x128xf32, #tpu.memory_space<vmem_shared>>
        tpu.enqueue_indirect_dma source(%dma_start3A_181 : memref<200x128xf32, #tpu.memory_space<vmem_shared>>) target(%dma_start3A_177 : memref<72x128xf32, #tpu.memory_space<vmem>>) offsets(%dma_start3A_178 : memref<72xi32, #tpu.memory_space<vmem>>) semaphore(%arg9 : memref<!tpu.dma_semaphore, #tpu.memory_space<semaphore_mem>>)
        %mul3A_182 = arith.constant 2 : i32
        %mul3A_183 = arith.muli %mul3A_182, %scan3A_81 : i32
        %add3A_184 = arith.constant 1 : i32
        %add3A_185 = arith.addi %mul3A_183, %add3A_184 : i32
        %mul3A_186 = arith.constant 64 : i32
        %mul3A_187 = arith.muli %scan3A_31, %mul3A_186 : i32
        %add3A_188 = arith.addi %mul3A_2, %mul3A_187 : i32
        %add3A_189 = arith.addi %add3A_188, %add3A_185 : i32
        %mul3A_190 = arith.constant 64 : i32
        %mul3A_191 = arith.muli %scan3A_31, %mul3A_190 : i32
        %add3A_192 = arith.addi %mul3A_191, %add3A_185 : i32
        %dma_wait3A_193 = arith.constant 1 : i32
        %dma_wait3A_194 = arith.constant 0 : i32
        %dma_wait3A_195 = arith.constant 0 : i32
        %dma_wait3A_196 = arith.constant 0 : i32
        %dma_wait3A_197 = arith.constant 0 : i32
        %dma_wait3A_198 = tpu.memref_slice %arg8[%dma_wait3A_193, %dma_wait3A_195, %dma_wait3A_196, %dma_wait3A_197] : memref<2x1x200x128xf32, #tpu.memory_space<vmem>> -> memref<1x1x200x128xf32, #tpu.memory_space<vmem>>
        %dma_wait3A_199 = tpu.memref_squeeze %dma_wait3A_198 : memref<1x1x200x128xf32, #tpu.memory_space<vmem>> -> memref<1x200x128xf32, #tpu.memory_space<vmem>>
        %dma_wait3A_200 = arith.constant 0 : i32
        %dma_wait3A_201 = arith.constant 0 : i32
        %dma_wait3A_202 = tpu.memref_slice %dma_wait3A_199[%dma_wait3A_194, %dma_wait3A_200, %dma_wait3A_201] : memref<1x200x128xf32, #tpu.memory_space<vmem>> -> memref<1x200x128xf32, #tpu.memory_space<vmem>>
        %dma_wait3A_203 = tpu.memref_squeeze %dma_wait3A_202 : memref<1x200x128xf32, #tpu.memory_space<vmem>> -> memref<200x128xf32, #tpu.memory_space<vmem>>
        %dma_wait3A_204 = arith.constant 0 : i32
        %dma_wait3A_205 = arith.constant 0 : i32
        %dma_wait3A_206 = arith.constant 0 : i32
        %dma_wait3A_207 = tpu.memref_slice %arg8[%dma_wait3A_193, %dma_wait3A_204, %dma_wait3A_205, %dma_wait3A_206] : memref<2x1x200x128xf32, #tpu.memory_space<vmem>> -> memref<1x1x200x128xf32, #tpu.memory_space<vmem>>
        %dma_wait3A_208 = tpu.memref_squeeze %dma_wait3A_207 : memref<1x1x200x128xf32, #tpu.memory_space<vmem>> -> memref<1x200x128xf32, #tpu.memory_space<vmem>>
        %dma_wait3A_209 = arith.constant 0 : i32
        %dma_wait3A_210 = arith.constant 0 : i32
        %dma_wait3A_211 = tpu.memref_slice %dma_wait3A_208[%dma_wait3A_194, %dma_wait3A_209, %dma_wait3A_210] : memref<1x200x128xf32, #tpu.memory_space<vmem>> -> memref<1x200x128xf32, #tpu.memory_space<vmem>>
        %dma_wait3A_212 = tpu.memref_squeeze %dma_wait3A_211 : memref<1x200x128xf32, #tpu.memory_space<vmem>> -> memref<200x128xf32, #tpu.memory_space<vmem>>
        tpu.wait_dma2 semaphore(%arg9 : memref<!tpu.dma_semaphore, #tpu.memory_space<semaphore_mem>>) src(%arg3 : memref<200x128xf32, #tpu.memory_space<hbm>>) dst(%dma_wait3A_212 : memref<200x128xf32, #tpu.memory_space<vmem>>)
        %dma_start3A_213 = arith.constant 1 : i32
        %dma_start3A_214 = arith.constant 0 : i32
        %dma_start3A_215 = arith.constant 0 : i32
        %dma_start3A_216 = arith.constant 0 : i32
        %dma_start3A_217 = tpu.memref_slice %arg8[%dma_start3A_213, %dma_start3A_214, %dma_start3A_215, %dma_start3A_216] : memref<2x1x200x128xf32, #tpu.memory_space<vmem>> -> memref<1x1x200x128xf32, #tpu.memory_space<vmem>>
        %dma_start3A_218 = tpu.memref_squeeze %dma_start3A_217 : memref<1x1x200x128xf32, #tpu.memory_space<vmem>> -> memref<1x200x128xf32, #tpu.memory_space<vmem>>
        %dma_start3A_219 = arith.constant 0 : i32
        %dma_start3A_220 = arith.constant 0 : i32
        %dma_start3A_221 = tpu.memref_slice %arg4[%add3A_189, %dma_start3A_219, %dma_start3A_220] : memref<16384x200x128xf32, #tpu.memory_space<hbm>> -> memref<1x200x128xf32, #tpu.memory_space<hbm>>
        %dma_start3A_222 = arith.constant 0 : i32
        %dma_start3A_223 = arith.constant 0 : i32
        %dma_start3A_224 = tpu.memref_slice %arg4[%add3A_189, %dma_start3A_222, %dma_start3A_223] : memref<16384x200x128xf32, #tpu.memory_space<hbm>> -> memref<1x200x128xf32, #tpu.memory_space<hbm>>
        %dma_start3A_225 = arith.constant 0 : i32
        %dma_start3A_226 = arith.constant 0 : i32
        %dma_start3A_227 = arith.constant 0 : i32
        %dma_start3A_228 = tpu.memref_slice %arg8[%dma_start3A_213, %dma_start3A_225, %dma_start3A_226, %dma_start3A_227] : memref<2x1x200x128xf32, #tpu.memory_space<vmem>> -> memref<1x1x200x128xf32, #tpu.memory_space<vmem>>
        %dma_start3A_229 = tpu.memref_squeeze %dma_start3A_228 : memref<1x1x200x128xf32, #tpu.memory_space<vmem>> -> memref<1x200x128xf32, #tpu.memory_space<vmem>>
        tpu.enqueue_dma source(%dma_start3A_229 : memref<1x200x128xf32, #tpu.memory_space<vmem>>) target(%dma_start3A_224 : memref<1x200x128xf32, #tpu.memory_space<hbm>>) target_semaphore(%arg10 : memref<!tpu.dma_semaphore, #tpu.memory_space<semaphore_mem>>)
        %ge3A_230 = arith.constant 1 : i32
        %ge3A_231 = arith.cmpi sge, %add3A_192, %ge3A_230 : i32
        %convert_element_type3A_232 = arith.extui %ge3A_231 : i1 to i32
        %cond3A_233 = arith.constant 0 : i32
        %cond3A_234 = arith.cmpi ne, %convert_element_type3A_232, %cond3A_233 : i32
        scf.if %cond3A_234 {
          %dma_wait3A_241 = arith.constant 0 : i32
          %dma_wait3A_242 = arith.constant 0 : i32
          %dma_wait3A_243 = arith.constant 0 : i32
          %dma_wait3A_244 = arith.constant 0 : i32
          %dma_wait3A_245 = tpu.memref_slice %arg8[%dma_wait3A_241, %dma_wait3A_242, %dma_wait3A_243, %dma_wait3A_244] : memref<2x1x200x128xf32, #tpu.memory_space<vmem>> -> memref<1x1x200x128xf32, #tpu.memory_space<vmem>>
          %dma_wait3A_246 = tpu.memref_squeeze %dma_wait3A_245 : memref<1x1x200x128xf32, #tpu.memory_space<vmem>> -> memref<1x200x128xf32, #tpu.memory_space<vmem>>
          %dma_wait3A_247 = arith.constant 0 : i32
          %dma_wait3A_248 = arith.constant 0 : i32
          %dma_wait3A_249 = tpu.memref_slice %arg4[%add3A_189, %dma_wait3A_247, %dma_wait3A_248] : memref<16384x200x128xf32, #tpu.memory_space<hbm>> -> memref<1x200x128xf32, #tpu.memory_space<hbm>>
          %dma_wait3A_250 = arith.constant 0 : i32
          %dma_wait3A_251 = arith.constant 0 : i32
          %dma_wait3A_252 = tpu.memref_slice %arg4[%add3A_189, %dma_wait3A_250, %dma_wait3A_251] : memref<16384x200x128xf32, #tpu.memory_space<hbm>> -> memref<1x200x128xf32, #tpu.memory_space<hbm>>
          %dma_wait3A_253 = arith.constant 0 : i32
          %dma_wait3A_254 = arith.constant 0 : i32
          %dma_wait3A_255 = arith.constant 0 : i32
          %dma_wait3A_256 = tpu.memref_slice %arg8[%dma_wait3A_241, %dma_wait3A_253, %dma_wait3A_254, %dma_wait3A_255] : memref<2x1x200x128xf32, #tpu.memory_space<vmem>> -> memref<1x1x200x128xf32, #tpu.memory_space<vmem>>
          %dma_wait3A_257 = tpu.memref_squeeze %dma_wait3A_256 : memref<1x1x200x128xf32, #tpu.memory_space<vmem>> -> memref<1x200x128xf32, #tpu.memory_space<vmem>>
          tpu.wait_dma2 semaphore(%arg10 : memref<!tpu.dma_semaphore, #tpu.memory_space<semaphore_mem>>) src(%dma_wait3A_257 : memref<1x200x128xf32, #tpu.memory_space<vmem>>) dst(%dma_wait3A_252 : memref<1x200x128xf32, #tpu.memory_space<hbm>>)
        } else {
        }
        %add3A_235 = arith.constant 1 : i32
        %add3A_236 = arith.addi %add3A_185, %add3A_235 : i32
        %lt3A = arith.constant 64 : i32
        %lt3A_237 = arith.cmpi slt, %add3A_236, %lt3A : i32
        %convert_element_type3A_238 = arith.extui %lt3A_237 : i1 to i32
        %cond3A_239 = arith.constant 0 : i32
        %cond3A_240 = arith.cmpi ne, %convert_element_type3A_238, %cond3A_239 : i32
        scf.if %cond3A_240 {
          %add3A_241 = arith.constant 1 : i32
          %add3A_242 = arith.addi %add3A_185, %add3A_241 : i32
          %mul3A_243 = arith.constant 256 : i32
          %mul3A_244 = arith.muli %add3A_242, %mul3A_243 : i32
          %add3A_245 = arith.constant 0 : i32
          %add3A_246 = arith.addi %mul3A_244, %add3A_245 : i32
          %multiple_of3A_247 = tpu.assume_multiple %add3A_246, 128 : i32
          %dma_start3A_248 = arith.constant 0 : i32
          %dma_start3A_249 = arith.constant 0 : i32
          %dma_start3A_250 = arith.constant 0 : i32
          %dma_start3A_251 = arith.constant 0 : i32
          %dma_start3A_252 = arith.constant 0 : i32
          %dma_start3A_253 = tpu.memref_slice %arg8[%dma_start3A_248, %dma_start3A_250, %dma_start3A_251, %dma_start3A_252] : memref<2x1x200x128xf32, #tpu.memory_space<vmem>> -> memref<1x1x200x128xf32, #tpu.memory_space<vmem>>
          %dma_start3A_254 = tpu.memref_squeeze %dma_start3A_253 : memref<1x1x200x128xf32, #tpu.memory_space<vmem>> -> memref<1x200x128xf32, #tpu.memory_space<vmem>>
          %dma_start3A_255 = arith.constant 0 : i32
          %dma_start3A_256 = arith.constant 0 : i32
          %dma_start3A_257 = tpu.memref_slice %dma_start3A_254[%dma_start3A_249, %dma_start3A_255, %dma_start3A_256] : memref<1x200x128xf32, #tpu.memory_space<vmem>> -> memref<1x200x128xf32, #tpu.memory_space<vmem>>
          %dma_start3A_258 = tpu.memref_squeeze %dma_start3A_257 : memref<1x200x128xf32, #tpu.memory_space<vmem>> -> memref<200x128xf32, #tpu.memory_space<vmem>>
          %dma_start3A_259 = arith.constant 0 : i32
          %dma_start3A_260 = arith.constant 0 : i32
          %dma_start3A_261 = tpu.memref_slice %dma_start3A_258[%dma_start3A_259, %dma_start3A_260] : memref<200x128xf32, #tpu.memory_space<vmem>> -> memref<128x128xf32, #tpu.memory_space<vmem>>
          %dma_start3A_262 = tpu.memref_slice %arg7[%multiple_of3A_247] : memref<16384xi32, #tpu.memory_space<vmem>> -> memref<128xi32, #tpu.memory_space<vmem>>
          %dma_start3A_263 = arith.constant 0 : i32
          %dma_start3A_264 = arith.constant 0 : i32
          %dma_start3A_265 = tpu.memref_slice %arg6[%dma_start3A_263, %dma_start3A_264] : memref<200x128xf32, #tpu.memory_space<vmem_shared>> -> memref<200x128xf32, #tpu.memory_space<vmem_shared>>
          tpu.enqueue_indirect_dma source(%dma_start3A_265 : memref<200x128xf32, #tpu.memory_space<vmem_shared>>) target(%dma_start3A_261 : memref<128x128xf32, #tpu.memory_space<vmem>>) offsets(%dma_start3A_262 : memref<128xi32, #tpu.memory_space<vmem>>) semaphore(%arg9 : memref<!tpu.dma_semaphore, #tpu.memory_space<semaphore_mem>>)
          %mul3A_266 = arith.constant 256 : i32
          %mul3A_267 = arith.muli %add3A_242, %mul3A_266 : i32
          %add3A_268 = arith.constant 128 : i32
          %add3A_269 = arith.addi %mul3A_267, %add3A_268 : i32
          %multiple_of3A_270 = tpu.assume_multiple %add3A_269, 128 : i32
          %dma_start3A_271 = arith.constant 0 : i32
          %dma_start3A_272 = arith.constant 0 : i32
          %dma_start3A_273 = arith.constant 0 : i32
          %dma_start3A_274 = arith.constant 0 : i32
          %dma_start3A_275 = arith.constant 0 : i32
          %dma_start3A_276 = tpu.memref_slice %arg8[%dma_start3A_271, %dma_start3A_273, %dma_start3A_274, %dma_start3A_275] : memref<2x1x200x128xf32, #tpu.memory_space<vmem>> -> memref<1x1x200x128xf32, #tpu.memory_space<vmem>>
          %dma_start3A_277 = tpu.memref_squeeze %dma_start3A_276 : memref<1x1x200x128xf32, #tpu.memory_space<vmem>> -> memref<1x200x128xf32, #tpu.memory_space<vmem>>
          %dma_start3A_278 = arith.constant 0 : i32
          %dma_start3A_279 = arith.constant 0 : i32
          %dma_start3A_280 = tpu.memref_slice %dma_start3A_277[%dma_start3A_272, %dma_start3A_278, %dma_start3A_279] : memref<1x200x128xf32, #tpu.memory_space<vmem>> -> memref<1x200x128xf32, #tpu.memory_space<vmem>>
          %dma_start3A_281 = tpu.memref_squeeze %dma_start3A_280 : memref<1x200x128xf32, #tpu.memory_space<vmem>> -> memref<200x128xf32, #tpu.memory_space<vmem>>
          %dma_start3A_282 = arith.constant 128 : i32
          %dma_start3A_283 = arith.constant 0 : i32
          %dma_start3A_284 = tpu.memref_slice %dma_start3A_281[%dma_start3A_282, %dma_start3A_283] : memref<200x128xf32, #tpu.memory_space<vmem>> -> memref<72x128xf32, #tpu.memory_space<vmem>>
          %dma_start3A_285 = tpu.memref_slice %arg7[%multiple_of3A_270] : memref<16384xi32, #tpu.memory_space<vmem>> -> memref<72xi32, #tpu.memory_space<vmem>>
          %dma_start3A_286 = arith.constant 0 : i32
          %dma_start3A_287 = arith.constant 0 : i32
          %dma_start3A_288 = tpu.memref_slice %arg6[%dma_start3A_286, %dma_start3A_287] : memref<200x128xf32, #tpu.memory_space<vmem_shared>> -> memref<200x128xf32, #tpu.memory_space<vmem_shared>>
          tpu.enqueue_indirect_dma source(%dma_start3A_288 : memref<200x128xf32, #tpu.memory_space<vmem_shared>>) target(%dma_start3A_284 : memref<72x128xf32, #tpu.memory_space<vmem>>) offsets(%dma_start3A_285 : memref<72xi32, #tpu.memory_space<vmem>>) semaphore(%arg9 : memref<!tpu.dma_semaphore, #tpu.memory_space<semaphore_mem>>)
        } else {
        }
      }
      %scan3A_80 = arith.constant 32 : i32
    }
    %scan3A_11 = arith.constant 8 : i32
    %add3A_12 = arith.constant 512 : i32
    %add3A_13 = arith.addi %mul3A_2, %add3A_12 : i32
    %sub3A = arith.constant 1 : i32
    %sub3A_14 = arith.subi %add3A_13, %sub3A : i32
    %dma_wait3A = arith.constant 1 : i32
    %dma_wait3A_15 = arith.constant 0 : i32
    %dma_wait3A_16 = arith.constant 0 : i32
    %dma_wait3A_17 = arith.constant 0 : i32
    %dma_wait3A_18 = tpu.memref_slice %arg8[%dma_wait3A, %dma_wait3A_15, %dma_wait3A_16, %dma_wait3A_17] : memref<2x1x200x128xf32, #tpu.memory_space<vmem>> -> memref<1x1x200x128xf32, #tpu.memory_space<vmem>>
    %dma_wait3A_19 = tpu.memref_squeeze %dma_wait3A_18 : memref<1x1x200x128xf32, #tpu.memory_space<vmem>> -> memref<1x200x128xf32, #tpu.memory_space<vmem>>
    %dma_wait3A_20 = arith.constant 0 : i32
    %dma_wait3A_21 = arith.constant 0 : i32
    %dma_wait3A_22 = tpu.memref_slice %arg4[%sub3A_14, %dma_wait3A_20, %dma_wait3A_21] : memref<16384x200x128xf32, #tpu.memory_space<hbm>> -> memref<1x200x128xf32, #tpu.memory_space<hbm>>
    %dma_wait3A_23 = arith.constant 0 : i32
    %dma_wait3A_24 = arith.constant 0 : i32
    %dma_wait3A_25 = tpu.memref_slice %arg4[%sub3A_14, %dma_wait3A_23, %dma_wait3A_24] : memref<16384x200x128xf32, #tpu.memory_space<hbm>> -> memref<1x200x128xf32, #tpu.memory_space<hbm>>
    %dma_wait3A_26 = arith.constant 0 : i32
    %dma_wait3A_27 = arith.constant 0 : i32
    %dma_wait3A_28 = arith.constant 0 : i32
    %dma_wait3A_29 = tpu.memref_slice %arg8[%dma_wait3A, %dma_wait3A_26, %dma_wait3A_27, %dma_wait3A_28] : memref<2x1x200x128xf32, #tpu.memory_space<vmem>> -> memref<1x1x200x128xf32, #tpu.memory_space<vmem>>
    %dma_wait3A_30 = tpu.memref_squeeze %dma_wait3A_29 : memref<1x1x200x128xf32, #tpu.memory_space<vmem>> -> memref<1x200x128xf32, #tpu.memory_space<vmem>>
    tpu.wait_dma2 semaphore(%arg10 : memref<!tpu.dma_semaphore, #tpu.memory_space<semaphore_mem>>) src(%dma_wait3A_30 : memref<1x200x128xf32, #tpu.memory_space<vmem>>) dst(%dma_wait3A_25 : memref<1x200x128xf32, #tpu.memory_space<hbm>>)
    return
  }
}

</mosaic_0001>

<sc_bundles>
// kernel: _sc_lookup.3.cloned.1.call-start
scs
__scs_entry_jumppad:
0x0: {  	(pc) =	sbr.rel $0x88, $3  }
0x1: {  	(tag) =	ssettag $0x0;
	lr =	simm.s32 $0x1  }
0x2: {  	[smem:$0x3F9F] =	sst lr;
	_ =	strace $0xD0000000  }
0x3: {  	_ = 	snop  }
0x4: {  	_ = 	snop  }
0x5: {  	_ = 	snop  }
0x6: {  	_ = 	snop  }
0x7: {  	_ = 	snop  }
__scs_overlays_trampoline_lowered:
0x8: {  	[smem:$0x3FAE] =	sst s0  }
0x9: {  	[smem:$0x3FAF] =	sst s1  }
0xa: {  	[smem:$0x3FB0] =	sst s2  }
0xb: {  	[smem:$0x3FB1] =	sst s3  }
0xc: {  	[smem:$0x3FB2] =	sst s4  }
0xd: {  	[smem:$0x3FB3] =	sst s5  }
0xe: {  	[smem:$0x3FB4] =	sst s6  }
0xf: {  	[smem:$0x3FB5] =	sst s7  }
0x10: {  	[smem:$0x3FB6] =	sst s8  }
0x11: {  	[smem:$0x3FB7] =	sst s9;
	s0 =	simm.s32 @!p0 $0x0  }
0x12: {  	s1 =	sld [smem:$0x3F9D];
	s0 =	simm.s32 @p0 $0x1  }
0x13: {  	[smem:$0x3FB8] =	sst s0;
	s0 =	simm.s32 @!p1 $0x0  }
0x14: {  	s2 =	sld [smem:$0x3F9C];
	s0 =	simm.s32 @p1 $0x1  }
0x15: {  	[smem:$0x3FB9] =	sst s0;
	s0 =	simm.s32 @!p2 $0x0  }
0x16: {  	s3 =	sld [smem:$0x3FDB];
	s0 =	simm.s32 @p2 $0x1  }
0x17: {  	s4 =	simm.s32 $0x1BF5;
	[smem:$0x3FBB] =	sst s0  }
0x18: {  	s0 =	sld [smem:$0x3F9E];
	_ =	swait.ge [sflag:s4], $0x0  }
0x19: {  	s7 =	sld [smem:$0x3F9F]  }
0x1a: {  	s8 =	sadd.s32 $0xFFFFE003, lr  }
0x1b: {  	s9 =	sadd.s32 $0xFFFFFEF7, lr;
	s5 =	simm.s32 $0xFFFFFFFF;
	p2 =	slt.u32 s8, $0xFFFFF086  }
0x1c: {  	p1 =	slt.u32 s9, $0xF7A;
	s5 =	simm.s32 @!p2 $0x0  }
0x1d: {  	s5 =	simm.s32 @p1 $0x1;
	p0 =	seq.s32 s7, s2  }
0x1e: {  	s7 =	smul.u32 @!p0 $0xF7A, s2;
	p2 =	seq.s32 @!p0 s5, $0x0  }
0x1f: {  	s9 =	smul.u32 $0xF7A, s1;
	s8 =	simm.s32 @!p0 $0x1BF5;
	p2 =	por !p2, p0  }
0x20: {  	[sflag:s8] =	ssyncset.s32 @!p0 $0xFFFFF086;
	s6 =	sadd.s32 @!p0 s3, s7;
	s7 =	simm.s32 @!p0 $0x108  }
0x21: {  	s3 =	sadd.s32 s3, s9;
	s6 =	sadd.s32 @!p0 $0x88, s6;
	s7 =	simm.s32 @p2 $0x1082  }
0x22: {  	[simem:s7], [sflag:s8] =	dma.local @!p0 [hbm:s6], $0xF7A  }
0x23: {  	s9 =	sor.u32 $0xD0000000, s2;
	s6 =	simm.s32 $0x108;
	_ =	swait.ge @!p0 [sflag:s8], $0x0  }
0x24: {  	s3 =	sadd.s32 $0x88, s3;
	s6 =	simm.s32 @!p1 $0x1082;
	[sflag:s4] =	ssyncset.s32 $0xFFFFF086  }
0x25: {  	[simem:s6], [sflag:s4] =	dma.local [hbm:s3], $0xF7A  }
0x26: {  	[smem:$0x3F9F] =	sst s1;
	(tag) =	ssettag s2;
	_ =	strace s9  }
0x27: {  	s1 =	sld [smem:$0x3FAF]  }
0x28: {  	s2 =	sld [smem:$0x3FB0]  }
0x29: {  	s4 =	sld [smem:$0x3FB2]  }
0x2a: {  	p0 =	seq.s32 s5, $0x0;
	s5 =	sld [smem:$0x3FB3]  }
0x2b: {  	s6 =	sld [smem:$0x3FB4]  }
0x2c: {  	s7 =	sld [smem:$0x3FB5]  }
0x2d: {  	s3 =	simm.s32 $0x108;
	s8 =	sld [smem:$0x3FB6]  }
0x2e: {  	s3 =	simm.s32 @!p0 $0x1082;
	s9 =	sld [smem:$0x3FB7]  }
0x2f: {  	lr =	sadd.s32 s0, s3;
	s0 =	sld [smem:$0x3FAE]  }
0x30: {  	s3 =	sld [smem:$0x3FB1]  }
0x31: {  	[smem:$0x3FBA] =	sst s10  }
0x32: {  	s10 =	sld [smem:$0x3FB8];
	_ =	sdelay $0x3  }
0x33: {  	p0 =	seq.s32 s10, $0x1;
	s10 =	sld [smem:$0x3FBA];
	_ =	sdelay $0x3  }
0x34: {  	[smem:$0x3FBA] =	sst s10  }
0x35: {  	s10 =	sld [smem:$0x3FB9];
	_ =	sdelay $0x3  }
0x36: {  	p1 =	seq.s32 s10, $0x1;
	s10 =	sld [smem:$0x3FBA];
	_ =	sdelay $0x3  }
0x37: {  	[smem:$0x3FBA] =	sst s10  }
0x38: {  	s10 =	sld [smem:$0x3FBB]  }
0x39: {  	_ = 	snop;
	(pc) =	sbr.ind lr, $3  }
0x3a: {  	_ = 	snop  }
0x3b: {  	_ = 	snop  }
0x3c: {  	p2 =	seq.s32 s10, $0x1;
	s10 =	sld [smem:$0x3FBA]  }
0x3d: {  	_ =	shalt  }
0x3e: {  	_ =	shalt  }
0x3f: {  	_ =	shalt  }
0x40: {  	_ =	shalt  }
0x41: {  	_ =	shalt  }
0x42: {  	_ =	shalt  }
0x43: {  	_ =	shalt  }
0x44: {  	_ =	shalt  }
0x45: {  	_ =	shalt  }
0x46: {  	_ =	shalt  }
0x47: {  	_ =	shalt  }
0x48: {  	_ =	shalt  }
0x49: {  	_ =	shalt  }
0x4a: {  	_ =	shalt  }
0x4b: {  	_ =	shalt  }
0x4c: {  	_ =	shalt  }
0x4d: {  	_ =	shalt  }
0x4e: {  	_ =	shalt  }
0x4f: {  	_ =	shalt  }
0x50: {  	_ =	shalt  }
0x51: {  	_ =	shalt  }
0x52: {  	_ =	shalt  }
0x53: {  	_ =	shalt  }
0x54: {  	_ =	shalt  }
0x55: {  	_ =	shalt  }
0x56: {  	_ =	shalt  }
0x57: {  	_ =	shalt  }
0x58: {  	_ =	shalt  }
0x59: {  	_ =	shalt  }
0x5a: {  	_ =	shalt  }
0x5b: {  	_ =	shalt  }
0x5c: {  	_ =	shalt  }
0x5d: {  	_ =	shalt  }
0x5e: {  	_ =	shalt  }
0x5f: {  	_ =	shalt  }
0x60: {  	_ =	shalt  }
0x61: {  	_ =	shalt  }
0x62: {  	_ =	shalt  }
0x63: {  	_ =	shalt  }
0x64: {  	_ =	shalt  }
0x65: {  	_ =	shalt  }
0x66: {  	_ =	shalt  }
0x67: {  	_ =	shalt  }
0x68: {  	_ =	shalt  }
0x69: {  	_ =	shalt  }
0x6a: {  	_ =	shalt  }
0x6b: {  	_ =	shalt  }
0x6c: {  	_ =	shalt  }
0x6d: {  	_ =	shalt  }
0x6e: {  	_ =	shalt  }
0x6f: {  	_ =	shalt  }
0x70: {  	_ =	shalt  }
0x71: {  	_ =	shalt  }
0x72: {  	_ =	shalt  }
0x73: {  	_ =	shalt  }
0x74: {  	_ =	shalt  }
0x75: {  	_ =	shalt  }
0x76: {  	_ =	shalt  }
0x77: {  	_ =	shalt  }
0x78: {  	_ =	shalt  }
0x79: {  	_ =	shalt  }
0x7a: {  	_ =	shalt  }
0x7b: {  	_ =	shalt  }
0x7c: {  	_ =	shalt  }
0x7d: {  	_ =	shalt  }
0x7e: {  	_ =	shalt  }
0x7f: {  	_ =	shalt  }
0x80: {  	_ =	shalt  }
0x81: {  	_ =	shalt  }
0x82: {  	_ =	shalt  }
0x83: {  	_ =	shalt  }
0x84: {  	_ =	shalt  }
0x85: {  	_ =	shalt  }
0x86: {  	_ =	shalt  }
0x87: {  	_ =	shalt  }
.Lfunc_end0:
.L_simem_size_0:
called_computation_lowered:
.L_overlay_start_0:
0x88: {  	s2 =	sld [smem:$0x3FD9]  }
0x89: {  	s3 =	sld [smem:$0x3FFE];
	_ =	sdelay $0x1  }
0x8a: {  	s1 =	srdreg.scid  }
0x8b: {  	s0 =	sand.u32 $0x1, s1  }
0x8c: {  	s18 =	sshll.u32 s0, $0xA;
	s2 =	sadd.s32 s3, s2  }
0x8d: {  	s2 =	sadd.s32 s2, s18  }
0x8e: {  	[smem:$0x3FC6] =	sst s2  }
0x8f: {  	_ = 	snop  }
0x90: {  	s2 =	sld [smem:$0x3FC9]  }
0x91: {  	s19 =	sld [smem:$0x3FC8]  }
0x92: {  	s4 =	sld [smem:$0x3FD0];
	(tm) =	ssettm $0x1  }
0x93: {  	s5 =	sld [smem:$0x3FFB];
	_ =	sdelay $0x3  }
0x94: {  	_ =	strace s5  }
0x95: {  	s5 =	sld [smem:$0x3FFC];
	_ =	sdelay $0x3  }
0x96: {  	_ =	strace s5  }
0x97: {  	s5 =	sld [smem:$0x3FFD];
	_ =	sdelay $0x3  }
0x98: {  	_ =	strace s5  }
0x99: {  	_ =	strace $0x8FFFFFFF  }
0x9a: {  	s20 =	sld [smem:$0x3FDB];
	_ =	sdelay $0x1  }
0x9b: {  	s6 =	simm.s32 $_scs_section_size  }
0x9c: {  	s7 =	simm.s32 $_size__tile_overlayer_lowered;
	s8 =	simm.s32 $_tile_overlayer_lowered  }
0x9d: {  	s23 =	simm.s32 $0x1BFF;
	s22 =	sshll.u32 s8, $0x1;
	s5 =	sadd.s32 s6, s20  }
0x9e: {  	s9 =	simm.s32 $0x0;
	s21 =	sshll.u32 s7, $0x1;
	s7 =	sadd.s32 s22, s5  }
0x9f: {  	[timem:s9], [sflag:s23] =	dma.local [hbm:s7], s21  }
0xa0: {  	_ =	swait.ge [sflag:s23], s21  }
0xa1: {  	s6 =	ssub.s32 $0x0, s21;
	[sflag:s23] =	ssyncset.done $0x0  }
0xa2: {  	[sflag:s23] =	ssyncadd.s32 s6;
	_ =	sdelay $0x1  }
0xa3: {  	s24 =	simm.s32 $0x1B8B  }
0xa4: {  	_ =	swait.ge [sflag:s24], $0x1  }
0xa5: {  	[sflag:s24] =	ssyncset.done $0x0  }
0xa6: {  	s25 =	simm.s32 $0x1B8E;
	[sflag:s24] =	ssyncadd.s32 $0xFFFFFFFF  }
0xa7: {  	s26 =	simm.s32 $execute0_lowered;
	[smem:$0x3FD2] =	sst s25  }
0xa8: {  	s6 =	sshll.u32 s26, $0x1;
	_ =	strace $0x80000046;
	[dreg:$0x1] =	wrdreg $0xFFFFFFFF  }
0xa9: {  	s28 =	simm.s32 $_size_execute0_lowered;
	s5 =	sadd.s32 s5, s6;
	[dreg:$0x0] =	wrdreg $0x0  }
0xaa: {  	s6 =	sshll.u32 s28, $0x1;
	[dreg:$0x2] =	wrdreg s5  }
0xab: {  	[dreg:$0x3] =	wrdreg s6  }
0xac: {  	[dreg:$0x4] =	wrdreg $0xC0  }
0xad: {  	_ =	task [dreg:s9], $0x5FFFF  }
0xae: {  	[dreg:$0x1] =	wrdreg $0xFFFFFFFF  }
0xaf: {  	[dreg:$0x0] =	wrdreg $0x60  }
0xb0: {  	[dreg:$0x2] =	wrdreg s2  }
0xb1: {  	[dreg:$0x3] =	wrdreg s19  }
0xb2: {  	[dreg:$0x4] =	wrdreg s4  }
0xb3: {  	[dreg:$0x5] =	wrdreg $0x64000  }
0xb4: {  	[dreg:$0x6] =	wrdreg $0x9  }
0xb5: {  	_ =	task.clear_ibuf [dreg:s9], $0x7FFFF;
	_ =	strace $0x90000046  }
0xb6: {  	s29 =	simm.s32 $0x9;
	_ =	strace $0x80000048  }
0xb7: {  	_ =	swait.ge [sflag:s29], $0x1  }
0xb8: {  	[sflag:s29] =	ssyncadd.s32 $0xFFFFFFFF  }
0xb9: {  	_ =	strace $0x90000048  }
0xba: {  	_ =	sfence  }
0xbb: {  	s30 =	sld [smem:$0x0];
	_ =	sdelay $0x2  }
0xbc: {  	s31 =	sshll.u32 s1, $0xD;
	s1 =	sshrl.u32 s1, $0x2  }
0xbd: {  	s3 =	sand.u32 $0x4000, s31;
	s1 =	sadd.s32 s1, s30  }
0xbe: {  	s0 =	sor.u32 s3, s0;
	s1 =	sshll.u32 s1, $0x11  }
0xbf: {  	s0 =	sor.u32 s1, s0  }
0xc0: {  	s0 =	sadd.s32 $0x8F2B, s0  }
0xc1: {  	[sflag:s0] =	ssyncadd.remote.s32 $0x1  }
0xc2: {  	_ =	sfence.sel $0xFFFF  }
0xc3: {  	[dreg:$0x0] =	wrdreg $0xFFFFFFFF;
	(pc) =	sbr.abs _section_cstart, $3  }
0xc4: {  	[dreg:$0x1] =	wrdreg $0xFFFFFFFF  }
0xc5: {  	_ =	task.clear_ibuf [dreg:s9], $0x2FFFF;
	_ =	strace $0x9FFFFFFF  }
0xc6: {  	(tm) =	ssettm $0x7FFFFFFF  }
0xc7: {  	_ =	shalt  }
tec
execute0_lowered:
.L_overlay_start_1:
0x0: {  	(tag) =	ssettag $0x1  }
0x1: {  	s5 =	rddreg [dreg:$0x0]  }
0x2: {  	s8 =	rddreg [dreg:$0x2]  }
0x3: {  	s2 =	rddreg [dreg:$0x3]  }
0x4: {  	s4 =	srdreg.scid;
	s3 =	simm.s32 $0x0;
	s10 =	stileid.u32  }
0x5: {  	s13 =	simm.s32 $0xAA40;
	s14 =	simm.s32 $0x48;
	s15 =	simm.s32 $0x6AC0  }
0x6: {  	s16 =	simm.s32 $0xEA40;
	s17 =	simm.s32 $0x1;
	s18 =	simm.s32 $0x10E40  }
0x7: {  	s19 =	simm.s32 $0x14E40;
	s20 =	simm.s32 $0x2;
	s21 =	simm.s32 $0xA940  }
0x8: {  	s22 =	simm.s32 $0xA9C0;
	s23 =	simm.s32 $0x0;
	s6 =	sand.u32 $0x1, s4  }
0x9: {  	[smem:$0x7FF] =	sst s3;
	s9 =	sshll.u32 s10, $0x1;
	s11 =	smul.u32 $0x320000, s10  }
0xa: {  	p0 =	sne.s32 s10, $0x0;
	s10 =	simm.s32 $0x6A40;
	s4 =	ssub.s32 $0x2, s6  }
0xb: {  	_ =	strace $0x80000047;
	s9 =	sor.u32 s6, s9;
	s12 =	smul.u32 $0x190000, s6  }
0xc: {  	s7 =	sshrl.u32 s4, $0x1;
	s31 =	sadd.s32 s11, s8;
	s11 =	simm.s32 $0x3  }
0xd: {  	s7 =	ssub.s32 s4, s7;
	s4 =	sshll.u32 s9, $0x9;
	s9 =	sshll.u32 s9, $0xE  }
0xe: {  	s5 =	sadd.s32 s5, s9;
	s6 =	smax.u32 s7, $0x1;
	s7 =	sadd.s32 $0x30700, s8  }
0xf: {  	s8 =	sadd.s32 $0x31380, s8;
	s9 =	sadd.s32 s12, s31;
	s12 =	simm.s32 $0x80  }
.LBB2_1:
0x10: {  	s24 =	simm.s32 @!p0 $0x0;
	s0 =	rddreg [dreg:$0x1];
	s25 =	simm.s32 @!p0 $0x3  }
0x11: {  	[tilespmem:s24], [sflag:$0x3] =	stream.linear.gather @!p0 [hbm4b:s0+s24], $0x6400, $0x38;
	[tilespmem:$0x17240] =	vst v63  }
0x12: {  	_ =	swait.ge @!p0 [sflag:s25], $0x6400  }
0x13: {  	[sflag:s25] =	ssyncset.done @!p0 $0x0  }
0x14: {  	[sflag:s25] =	ssyncadd.s32 @!p0 $0xFFFF9C00  }
0x15: {  	[spmem:s2] =	stream.linear.scatter @!p0 [tilespmem:s24], [sflag:$0x3], $0x6400, $0x38;
	[tilespmem:$0x17240] =	vst v63  }
0x16: {  	_ =	swait.ge @!p0 [sflag:s25], $0x6400  }
0x17: {  	[sflag:s25] =	ssyncset.done @!p0 $0x0  }
0x18: {  	[sflag:s25] =	ssyncadd.s32 @!p0 $0xFFFF9C00  }
0x19: {  	s24 =	smov.u32 s9;
	s25 =	simm.s32 $0x0;
	[bflag:$0x0] =	sbarrier.arrive $0xFFFF  }
.LBB2_2:
0x1a: {  	s26 =	sshll.u32 s25, $0xB  }
0x1b: {  	s28 =	sadd.s32 s26, s5;
	s26 =	simm.s32 $0x0  }
0x1c: {  	[tilespmem:s10], [sflag:$0x3] =	stream.linear.gather [hbm4b:s28+s26], $0x4000, $0x38;
	[tilespmem:$0x17240] =	vst v63  }
0x1d: {  	_ =	swait.ge [sflag:s11], $0x4000  }
0x1e: {  	[sflag:s11] =	ssyncset.done $0x0  }
0x1f: {  	[sflag:s11] =	ssyncadd.s32 $0xFFFFC000  }
0x20: {  	[tilespmem:s13], [sflag:$0x1] =	stream.indirect.gather [spmem:s2], $0x80, s10, s12, $0xb8;
	[tilespmem:$0x17240] =	vst v63  }
0x21: {  	_ = 	snop  }
0x22: {  	[tilespmem:s16], [sflag:$0x1] =	stream.indirect.gather [spmem:s2], $0x80, s15, s14, $0xb8;
	[tilespmem:$0x17240] =	vst v63  }
0x23: {  	s28 =	sor.u32 s25, s26;
	_ =	swait.ge [sflag:s17], $0x6400  }
0x24: {  	p1 =	seq.s32 s28, $0x0;
	[sflag:s17] =	ssyncset.done $0x0  }
0x25: {  	s28 =	simm.s32 @!p1 $0x2;
	[sflag:s17] =	ssyncadd.s32 $0xFFFF9C00  }
0x26: {  	[hbm4b:s24+s3] =	stream.linear.scatter [tilespmem:s13], [sflag:$0x2], $0x6400, $0x38;
	[tilespmem:$0x17240] =	vst v63  }
0x27: {  	_ =	swait.ge @!p1 [sflag:s28], $0x6400  }
0x28: {  	[sflag:s28] =	ssyncset.done @!p1 $0x0  }
0x29: {  	s29 =	simm.s32 $0x6B40;
	[sflag:s28] =	ssyncadd.s32 @!p1 $0xFFFF9C00  }
0x2a: {  	[tilespmem:s18], [sflag:$0x1] =	stream.indirect.gather [spmem:s2], $0x80, s29, s12, $0xb8;
	[tilespmem:$0x17240] =	vst v63  }
0x2b: {  	s28 =	simm.s32 $0x6BC0  }
0x2c: {  	[tilespmem:s19], [sflag:$0x1] =	stream.indirect.gather [spmem:s2], $0x80, s28, s14, $0xb8;
	[tilespmem:$0x17240] =	vst v63  }
0x2d: {  	_ =	swait.ge [sflag:s17], $0x6400  }
0x2e: {  	[sflag:s17] =	ssyncset.done $0x0  }
0x2f: {  	s28 =	sadd.s32 $0xC80, s24;
	[sflag:s17] =	ssyncadd.s32 $0xFFFF9C00  }
0x30: {  	[hbm4b:s28+s3] =	stream.linear.scatter [tilespmem:s18], [sflag:$0x2], $0x6400, $0x38;
	[tilespmem:$0x17240] =	vst v63  }
0x31: {  	_ =	swait.ge [sflag:s20], $0x6400  }
0x32: {  	[sflag:s20] =	ssyncset.done $0x0  }
0x33: {  	s28 =	simm.s32 $0x6C40;
	[sflag:s20] =	ssyncadd.s32 $0xFFFF9C00  }
0x34: {  	[tilespmem:s13], [sflag:$0x1] =	stream.indirect.gather [spmem:s2], $0x80, s28, s12, $0xb8;
	[tilespmem:$0x17240] =	vst v63  }
0x35: {  	s31 =	simm.s32 $0x6CC0;
	s28 =	sshll.u32 s25, $0x6  }
0x36: {  	s30 =	smov.u32 s24;
	s29 =	simm.s32 $0x800;
	s28 =	sadd.s32 s4, s28  }
.LBB2_3:
0x37: {  	s26 =	sadd.s32 $0x1, s26  }
0x38: {  	s30 =	sadd.s32 $0x1900, s30;
	s0 =	smov.u32 s29;
	s29 =	sadd.s32 $0x800, s29  }
0x39: {  	[tilespmem:s16], [sflag:$0x1] =	stream.indirect.gather [spmem:s2], $0x80, s31, s14, $0xb8;
	[tilespmem:$0x17240] =	vst v63  }
0x3a: {  	p1 =	sne.s32 s29, $0xF800;
	_ =	swait.ge [sflag:s17], $0x6400  }
0x3b: {  	s31 =	sor.u32 s25, s26;
	[sflag:s17] =	ssyncset.done $0x0  }
0x3c: {  	p2 =	seq.s32 s31, $0x0;
	[sflag:s17] =	ssyncadd.s32 $0xFFFF9C00  }
0x3d: {  	[hbm4b:s30+s3] =	stream.linear.scatter [tilespmem:s13], [sflag:$0x2], $0x6400, $0x38;
	[tilespmem:$0x17240] =	vst v63  }
0x3e: {  	s31 =	simm.s32 @!p2 $0x2  }
0x3f: {  	s0 =	sshra.s32 s0, $0x2;
	_ =	swait.ge @!p2 [sflag:s31], $0x6400  }
0x40: {  	s1 =	sadd.s32 $0x6B40, s0;
	[sflag:s31] =	ssyncset.done @!p2 $0x0  }
0x41: {  	[sflag:s31] =	ssyncadd.s32 @!p2 $0xFFFF9C00;
	s31 =	sadd.s32 $0x6BC0, s0  }
0x42: {  	[tilespmem:s18], [sflag:$0x1] =	stream.indirect.gather [spmem:s2], $0x80, s1, s12, $0xb8;
	[tilespmem:$0x17240] =	vst v63  }
0x43: {  	_ = 	snop  }
0x44: {  	[tilespmem:s19], [sflag:$0x1] =	stream.indirect.gather [spmem:s2], $0x80, s31, s14, $0xb8;
	[tilespmem:$0x17240] =	vst v63  }
0x45: {  	_ =	swait.ge [sflag:s17], $0x6400  }
0x46: {  	s1 =	sadd.s32 $0xC80, s30;
	[sflag:s17] =	ssyncset.done $0x0  }
0x47: {  	[sflag:s17] =	ssyncadd.s32 $0xFFFF9C00  }
0x48: {  	[hbm4b:s1+s3] =	stream.linear.scatter [tilespmem:s18], [sflag:$0x2], $0x6400, $0x38;
	[tilespmem:$0x17240] =	vst v63  }
.Ltmp0:
0x49: {  	_ = 	snop;
	(pc) =	sbr.rel @p1 .LBB2_3-.Ltmp0, $4  }
0x4a: {  	_ =	swait.ge [sflag:s20], $0x6400  }
0x4b: {  	s1 =	sadd.s32 $0x6C40, s0;
	[sflag:s20] =	ssyncset.done $0x0  }
0x4c: {  	s31 =	sadd.s32 $0x6CC0, s0;
	[sflag:s20] =	ssyncadd.s32 $0xFFFF9C00  }
0x4d: {  	[tilespmem:s13], [sflag:$0x1] =	stream.indirect.gather [spmem:s2], $0x80, s1, s12, $0xb8;
	[tilespmem:$0x17240] =	vst v63  }
0x4e: {  	[tilespmem:s16], [sflag:$0x1] =	stream.indirect.gather [spmem:s2], $0x80, s31, s14, $0xb8;
	[tilespmem:$0x17240] =	vst v63  }
0x4f: {  	s0 =	smul.u32 $0xC80, s28;
	_ =	swait.ge [sflag:s17], $0x6400  }
0x50: {  	[sflag:s17] =	ssyncset.done $0x0  }
0x51: {  	s1 =	sadd.s32 s7, s0;
	[sflag:s17] =	ssyncadd.s32 $0xFFFF9C00  }
0x52: {  	[hbm4b:s1+s3] =	stream.linear.scatter [tilespmem:s13], [sflag:$0x2], $0x6400, $0x38;
	[tilespmem:$0x17240] =	vst v63  }
0x53: {  	_ =	swait.ge [sflag:s20], $0x6400  }
0x54: {  	[sflag:s20] =	ssyncset.done $0x0  }
0x55: {  	[sflag:s20] =	ssyncadd.s32 $0xFFFF9C00  }
0x56: {  	[tilespmem:s18], [sflag:$0x1] =	stream.indirect.gather [spmem:s2], $0x80, s21, s12, $0xb8;
	[tilespmem:$0x17240] =	vst v63  }
0x57: {  	_ = 	snop  }
0x58: {  	[tilespmem:s19], [sflag:$0x1] =	stream.indirect.gather [spmem:s2], $0x80, s22, s14, $0xb8;
	[tilespmem:$0x17240] =	vst v63  }
0x59: {  	s25 =	sadd.s32 $0x1, s25;
	_ =	swait.ge [sflag:s17], $0x6400  }
0x5a: {  	p1 =	sne.s32 s25, $0x8;
	[sflag:s17] =	ssyncset.done $0x0  }
.Ltmp1:
0x5b: {  	s0 =	sadd.s32 s8, s0;
	[sflag:s17] =	ssyncadd.s32 $0xFFFF9C00;
	(pc) =	sbr.rel @p1 .LBB2_2-.Ltmp1, $4  }
0x5c: {  	[hbm4b:s0+s3] =	stream.linear.scatter [tilespmem:s18], [sflag:$0x2], $0x6400, $0x38;
	[tilespmem:$0x17240] =	vst v63  }
0x5d: {  	_ =	swait.ge [sflag:s20], $0x6400  }
0x5e: {  	[sflag:s20] =	ssyncset.done $0x0  }
0x5f: {  	s24 =	sadd.s32 $0x32000, s24;
	[sflag:s20] =	ssyncadd.s32 $0xFFFF9C00  }
0x60: {  	s23 =	sadd.s32 $0x1, s23  }
0x61: {  	p1 =	sne.s32 s23, s6  }
.Ltmp2:
0x62: {  	_ = 	snop;
	(pc) =	sbr.rel @p1 .LBB2_1-.Ltmp2, $4  }
0x63: {  	_ = 	snop  }
0x64: {  	_ =	swait.ge [sflag:s20], $0x6400  }
0x65: {  	[sflag:s20] =	ssyncset.done $0x0  }
0x66: {  	[sflag:s20] =	ssyncadd.s32 $0xFFFF9C00  }
0x67: {  	_ =	sfence.sel $0x180000  }
0x68: {  	[bflag:$0x0] =	sbarrier.arrive $0xFFFF  }
0x69: {  	_ =	strace $0x90000047  }
0x6a: {  	[bflag:$0x2] =	sbarrier.arrive $0xFFFF  }
0x6b: {  	s0 =	rddreg [dreg:$0x4]  }
0x6c: {  	s0 =	sadd.s32 @!p0 $0x100000, s0  }
0x6d: {  	[sflag:s0] =	ssyncadd.tile.s32 @!p0 $0x1;
	_ =	shalt  }
.Lfunc_end2:
_tile_overlayer_lowered:
.L_overlay_start_2:
0x6e: {  	(tag) =	ssettag $0x2  }
0x6f: {  	s0 =	rddreg [dreg:$0x0];
	s2 =	stileid.u32  }
0x70: {  	s1 =	rddreg [dreg:$0x1];
	p0 =	sne.s32 s2, $0x0  }
0x71: {  	s3 =	rddreg [dreg:$0x2];
	[bflag:$0x3] =	sbarrier.arrive $0xFFFF;
	s2 =	simm.s32 @!p0 $0x1C03  }
0x72: {  	[timem:s3], [sflag:s2] =	dma.local @!p0 [hbm:s0], s1  }
0x73: {  	s0 =	simm.s32 @!p0 $0x3  }
0x74: {  	_ =	swait.ge @!p0 [sflag:s0], s1  }
0x75: {  	s1 =	ssub.s32 @!p0 $0x0, s1;
	[sflag:s0] =	ssyncset.done @!p0 $0x0  }
0x76: {  	[sflag:s0] =	ssyncadd.s32 @!p0 s1  }
0x77: {  	[bflag:$0x3] =	sbarrier.arrive $0xFFFF  }
0x78: {  	_ =	shalt  }

</sc_bundles>
